<compile_context>
chip_gen: v7x
topology: tpu7x:2x2x1
jax: 0.10.2.dev20260603
libtpu: 0.0.44.dev20260713+nightly
codegen_flags: <defaults>
</compile_context>

<pallas_src>
import functools

import jax
import jax.numpy as jnp
from jax import lax
from jax.experimental import pallas as pl
from jax.experimental.pallas import tpu as pltpu
from jax.experimental.pallas import tpu_sc as plsc

K = 1024
D = 64
B = 8192
BM = 2048
NB = B // BM


def _assign_body(xt_ref, ct_ref, out_ref):
    xt = xt_ref[...]
    ct = ct_ref[...]
    cc = jnp.sum(ct * ct, axis=0, keepdims=True).T
    xx = jnp.sum(xt * xt, axis=0, keepdims=True)
    xc2 = lax.dot_general(
        ct * -2.0, xt,
        dimension_numbers=(((0,), (0,)), ((), ())),
        preferred_element_type=jnp.float32,
    )
    dists = xx + xc2 + cc
    minval = jnp.min(dists, axis=0, keepdims=True)
    ids = lax.broadcasted_iota(jnp.int32, dists.shape, 0).astype(jnp.float32)
    amin = jnp.min(jnp.where(dists == minval, ids, float(K)), axis=0)
    out_ref[...] = amin.astype(jnp.int32)


def _assign(xt, ct):
    return pl.pallas_call(
        _assign_body,
        grid=(NB,),
        in_specs=[
            pl.BlockSpec((D, BM), lambda i: (0, i)),
            pl.BlockSpec((D, K), lambda i: (0, 0)),
        ],
        out_specs=pl.BlockSpec((BM,), lambda i: (i,)),
        out_shape=jax.ShapeDtypeStruct((B,), jnp.int32),
    )(xt, ct)


def _make_sc_gather_t():
    info = plsc.get_sparse_core_info()
    nw = info.num_cores * info.num_subcores
    f_per_w = D // nw
    mesh = plsc.VectorSubcoreMesh(core_axis_name="c", subcore_axis_name="s")

    @functools.partial(
        pl.kernel, mesh=mesh,
        compiler_params=pltpu.CompilerParams(
            use_tc_tiling_on_sc=False, needs_layout_passes=False),
        out_type=jax.ShapeDtypeStruct((D, B), jnp.float32),
        scratch_types=[
            pltpu.VMEM((B,), jnp.int32),
            pltpu.VMEM((f_per_w * K,), jnp.float32),
            pltpu.VMEM((f_per_w, B), jnp.float32),
        ],
    )
    def gather_t(tablet_hbm, idx_hbm, out_hbm, idx_v, tbl_v, out_v):
        wid = lax.axis_index("s") * info.num_cores + lax.axis_index("c")
        base = wid * f_per_w
        pltpu.sync_copy(tablet_hbm.at[pl.ds(base * K, f_per_w * K)], tbl_v)
        pltpu.sync_copy(idx_hbm, idx_v)
        kk = jnp.full((16,), K, jnp.int32)

        @plsc.parallel_loop(0, B // 16, unroll=16)
        def body(g):
            o = g * 16
            iv = idx_v[pl.ds(o, 16)]
            v0 = plsc.load_gather(tbl_v, [iv])
            v1 = plsc.load_gather(tbl_v, [iv + kk])
            out_v[0, pl.ds(o, 16)] = v0
            out_v[1, pl.ds(o, 16)] = v1
        pltpu.sync_copy(out_v, out_hbm.at[pl.ds(base, f_per_w)])

    return gather_t


_sc_gather_t = _make_sc_gather_t()


def kernel(x, centroids):
    assign = _assign(x.T, centroids.T)
    gathered = _sc_gather_t(centroids.T.reshape(D * K), assign).T
    return (assign, gathered)

# --- scband reference (transcript-rebuilt; emitter-appended) ---
"""Pipeline reference for scband-kmeans-80977313399780 (READ-ONLY COPY).

The authoritative reference and input builder live on the scoring server;
editing this copy changes nothing except your own understanding.
"""

import jax, jax.numpy as jnp
import numpy as np

NUM_CLUSTERS = 1024
LATENT = 64
B = 8192

def setup_inputs(seed: int = 0) -> dict:
    key = jax.random.key(seed)
    kx, kc = jax.random.split(key)
    x = jax.random.normal(kx, (B, LATENT), dtype=jnp.float32)
    # centroids initialized like torch.rand (uniform [0,1))
    centroids = jax.random.uniform(kc, (NUM_CLUSTERS, LATENT), dtype=jnp.float32)
    return {"x": x, "centroids": centroids}

def reference(x, centroids):
    # Vectorized equivalent of the per-row python loop:
    # for each row m: assign[m] = argmin_k sum_d (x[m,d] - centroids[k,d])**2
    # Expand squared L2 distance to avoid materializing [B, K, d]:
    # ||x - c||^2 = ||x||^2 - 2 x.c + ||c||^2 (same minimizer, same math)
    x_sq = jnp.sum(x * x, axis=1)[:, None]                      # [B, 1]
    c_sq = jnp.sum(centroids * centroids, axis=1)[None, :]      # [1, K]
    dists = x_sq - 2.0 * (x @ centroids.T) + c_sq               # [B, K]
    y_assign = jnp.argmin(dists, axis=1)                        # [B] int
    gathered = jnp.take(centroids, y_assign, axis=0)            # [B, d]
    return (y_assign, gathered)

if __name__ == "__main__":
    import jax
    _d = setup_inputs()
    print(jax.jit(kernel)(*tuple(_d.values())))

</pallas_src>

<mosaic_0001>
#map = affine_map<(d0, d1) -> (0)>
#map1 = affine_map<(d0, d1) -> (0, 0)>
module attributes {stable_mosaic.version = 14 : i64} {
  func.func @gather_t(%arg0: i32, %arg1: i32, %arg2: memref<65536xf32, #tpu.memory_space<hbm>>, %arg3: memref<8192xi32, #tpu.memory_space<hbm>>, %arg4: memref<64x8192xf32, #tpu.memory_space<hbm>>, %arg5: memref<8192xi32, #tpu.memory_space<vmem>>, %arg6: memref<2048xf32, #tpu.memory_space<vmem>>, %arg7: memref<2x8192xf32, #tpu.memory_space<vmem>>) attributes {dimension_semantics = [#tpu.dimension_semantics<core_parallel>, #tpu.dimension_semantics<subcore_parallel>], iteration_bounds = array<i64: 2, 16>, scalar_prefetch = 0 : i64, scratch_operands = 3 : i64, tpu.core_type = #tpu.core_type<sc_vector_subcore>, window_params = [{transform_indices = #map}, {transform_indices = #map}, {transform_indices = #map1}]} {
    %mul3A = arith.constant 2 : i32
    %mul3A_0 = arith.muli %arg1, %mul3A : i32
    %add3A = arith.addi %mul3A_0, %arg0 : i32
    %mul3A_1 = arith.constant 2 : i32
    %mul3A_2 = arith.muli %add3A, %mul3A_1 : i32
    %mul3A_3 = arith.constant 1024 : i32
    %mul3A_4 = arith.muli %mul3A_2, %mul3A_3 : i32
    "tpu.region"() ({
      %run_scoped3A = tpu.sem_alloc : memref<!tpu.dma_semaphore, #tpu.memory_space<semaphore_mem>>
      %dma_start3A = tpu.memref_slice %arg2[%mul3A_4] : memref<65536xf32, #tpu.memory_space<hbm>> -> memref<2048xf32, #tpu.memory_space<hbm>>
      %dma_start3A_8 = tpu.memref_slice %arg2[%mul3A_4] : memref<65536xf32, #tpu.memory_space<hbm>> -> memref<2048xf32, #tpu.memory_space<hbm>>
      tpu.enqueue_dma source(%dma_start3A_8 : memref<2048xf32, #tpu.memory_space<hbm>>) target(%arg6 : memref<2048xf32, #tpu.memory_space<vmem>>) target_semaphore(%run_scoped3A : memref<!tpu.dma_semaphore, #tpu.memory_space<semaphore_mem>>)
      %dma_wait3A = tpu.memref_slice %arg2[%mul3A_4] : memref<65536xf32, #tpu.memory_space<hbm>> -> memref<2048xf32, #tpu.memory_space<hbm>>
      %dma_wait3A_9 = tpu.memref_slice %arg2[%mul3A_4] : memref<65536xf32, #tpu.memory_space<hbm>> -> memref<2048xf32, #tpu.memory_space<hbm>>
      tpu.wait_dma2 semaphore(%run_scoped3A : memref<!tpu.dma_semaphore, #tpu.memory_space<semaphore_mem>>) src(%dma_wait3A_9 : memref<2048xf32, #tpu.memory_space<hbm>>) dst(%arg6 : memref<2048xf32, #tpu.memory_space<vmem>>)
      tpu.yield
    }) : () -> ()
    "tpu.region"() ({
      %run_scoped3A = tpu.sem_alloc : memref<!tpu.dma_semaphore, #tpu.memory_space<semaphore_mem>>
      tpu.enqueue_dma source(%arg3 : memref<8192xi32, #tpu.memory_space<hbm>>) target(%arg5 : memref<8192xi32, #tpu.memory_space<vmem>>) target_semaphore(%run_scoped3A : memref<!tpu.dma_semaphore, #tpu.memory_space<semaphore_mem>>)
      tpu.wait_dma2 semaphore(%run_scoped3A : memref<!tpu.dma_semaphore, #tpu.memory_space<semaphore_mem>>) src(%arg3 : memref<8192xi32, #tpu.memory_space<hbm>>) dst(%arg5 : memref<8192xi32, #tpu.memory_space<vmem>>)
      tpu.yield
    }) : () -> ()
    %broadcast_in_dim3A = arith.constant 1024 : i32
    %broadcast_in_dim3A_5 = vector.broadcast %broadcast_in_dim3A : i32 to vector<16xi32>
    %parallel_loop3A = arith.constant 0 : i32
    %parallel_loop3A_6 = arith.constant 512 : i32
    %parallel_loop3A_7 = arith.constant 1 : i32
    scf.for %parallel_loop3A_8 = %parallel_loop3A to %parallel_loop3A_6 step %parallel_loop3A_7  : i32 {
      %parallel_loop3A_9 = arith.constant 16 : i32
      %parallel_loop3A_10 = arith.muli %parallel_loop3A_8, %parallel_loop3A_9 : i32
      %parallel_loop3A_11 = arith.index_cast %parallel_loop3A_10 : i32 to index
      %parallel_loop3A_12 = tpu.vector_load %arg5[%parallel_loop3A_11] {strides = array<i32>} : memref<8192xi32, #tpu.memory_space<vmem>>, vector<16xi32>,
      %parallel_loop3A_13 = tpu.vector_load_idx %arg6[%parallel_loop3A_12] : memref<2048xf32, #tpu.memory_space<vmem>>[vector<16xi32>], vector<16xf32>,
      %parallel_loop3A_14 = arith.addi %parallel_loop3A_12, %broadcast_in_dim3A_5 : vector<16xi32>
      %parallel_loop3A_15 = tpu.vector_load_idx %arg6[%parallel_loop3A_14] : memref<2048xf32, #tpu.memory_space<vmem>>[vector<16xi32>], vector<16xf32>,
      %parallel_loop3A_16 = arith.constant 0 : i32
      %parallel_loop3A_17 = arith.index_cast %parallel_loop3A_16 : i32 to index
      %parallel_loop3A_18 = arith.index_cast %parallel_loop3A_10 : i32 to index
      %parallel_loop3A_19 = tpu.vector_load %arg7[%parallel_loop3A_17, %parallel_loop3A_18] {strides = array<i32>} : memref<2x8192xf32, #tpu.memory_space<vmem>>, vector<16xf32>,
      tpu.vector_store %arg7[%parallel_loop3A_17, %parallel_loop3A_18], %parallel_loop3A_13 {strides = array<i32>} : memref<2x8192xf32, #tpu.memory_space<vmem>>, vector<16xf32>,
      %parallel_loop3A_20 = arith.constant 1 : i32
      %parallel_loop3A_21 = arith.index_cast %parallel_loop3A_20 : i32 to index
      %parallel_loop3A_22 = arith.index_cast %parallel_loop3A_10 : i32 to index
      %parallel_loop3A_23 = tpu.vector_load %arg7[%parallel_loop3A_21, %parallel_loop3A_22] {strides = array<i32>} : memref<2x8192xf32, #tpu.memory_space<vmem>>, vector<16xf32>,
      tpu.vector_store %arg7[%parallel_loop3A_21, %parallel_loop3A_22], %parallel_loop3A_15 {strides = array<i32>} : memref<2x8192xf32, #tpu.memory_space<vmem>>, vector<16xf32>,
    } {sc.loop_unroll_factor = 16 : i64, sc.parallel_access}
    "tpu.region"() ({
      %run_scoped3A = tpu.sem_alloc : memref<!tpu.dma_semaphore, #tpu.memory_space<semaphore_mem>>
      %dma_start3A = arith.constant 0 : i32
      %dma_start3A_8 = tpu.memref_slice %arg4[%mul3A_2, %dma_start3A] : memref<64x8192xf32, #tpu.memory_space<hbm>> -> memref<2x8192xf32, #tpu.memory_space<hbm>>
      %dma_start3A_9 = arith.constant 0 : i32
      %dma_start3A_10 = tpu.memref_slice %arg4[%mul3A_2, %dma_start3A_9] : memref<64x8192xf32, #tpu.memory_space<hbm>> -> memref<2x8192xf32, #tpu.memory_space<hbm>>
      tpu.enqueue_dma source(%arg7 : memref<2x8192xf32, #tpu.memory_space<vmem>>) target(%dma_start3A_10 : memref<2x8192xf32, #tpu.memory_space<hbm>>) target_semaphore(%run_scoped3A : memref<!tpu.dma_semaphore, #tpu.memory_space<semaphore_mem>>)
      %dma_wait3A = arith.constant 0 : i32
      %dma_wait3A_11 = tpu.memref_slice %arg4[%mul3A_2, %dma_wait3A] : memref<64x8192xf32, #tpu.memory_space<hbm>> -> memref<2x8192xf32, #tpu.memory_space<hbm>>
      %dma_wait3A_12 = arith.constant 0 : i32
      %dma_wait3A_13 = tpu.memref_slice %arg4[%mul3A_2, %dma_wait3A_12] : memref<64x8192xf32, #tpu.memory_space<hbm>> -> memref<2x8192xf32, #tpu.memory_space<hbm>>
      tpu.wait_dma2 semaphore(%run_scoped3A : memref<!tpu.dma_semaphore, #tpu.memory_space<semaphore_mem>>) src(%arg7 : memref<2x8192xf32, #tpu.memory_space<vmem>>) dst(%dma_wait3A_13 : memref<2x8192xf32, #tpu.memory_space<hbm>>)
      tpu.yield
    }) : () -> ()
    return
  }
}

module attributes {stable_mosaic.version = 14 : i64} {
  func.func @_assign_body(%arg0: i32, %arg1: memref<64x2048xf32, #tpu.memory_space<vmem>>, %arg2: memref<64x1024xf32, #tpu.memory_space<vmem>>, %arg3: memref<2048xi32, #tpu.memory_space<vmem>>) attributes {dimension_semantics = [#tpu.dimension_semantics<arbitrary>], iteration_bounds = array<i64: 4>, scalar_prefetch = 0 : i64, scratch_operands = 0 : i64, tpu.core_type = #tpu.core_type<tc>, window_params = [{transform_indices = @transform_0, window_bounds = array<i64: 64, 2048>}, {pipeline_mode = #tpu.pipeline_mode<synchronous>, transform_indices = @transform_1, window_bounds = array<i64: 64, 1024>}, {transform_indices = @transform_2, window_bounds = array<i64: 2048>}]} {
    %get3A = arith.constant 0 : index
    %get3A_0 = arith.constant 0 : index
    %get3A_1 = vector.load %arg1[%get3A, %get3A_0] : memref<64x2048xf32, #tpu.memory_space<vmem>>, vector<64x2048xf32>
    %get3A_2 = arith.constant 0 : index
    %get3A_3 = arith.constant 0 : index
    %get3A_4 = vector.load %arg2[%get3A_2, %get3A_3] : memref<64x1024xf32, #tpu.memory_space<vmem>>, vector<64x1024xf32>
    %mul3A = arith.mulf %get3A_4, %get3A_4 : vector<64x1024xf32>
    %reduce_sum3A = arith.constant dense<0.000000e+00> : vector<1024xf32>
    %reduce_sum3A_5 = vector.multi_reduction <add>, %mul3A, %reduce_sum3A [0] : vector<64x1024xf32> to vector<1024xf32>
    %broadcast_in_dim3A = vector.shape_cast %reduce_sum3A_5 : vector<1024xf32> to vector<1x1024xf32>
    %transpose3A = tpu.transpose %broadcast_in_dim3A, [1, 0] : vector<1x1024xf32> -> vector<1024x1xf32>
    %mul3A_6 = arith.mulf %get3A_1, %get3A_1 : vector<64x2048xf32>
    %reduce_sum3A_7 = arith.constant dense<0.000000e+00> : vector<2048xf32>
    %reduce_sum3A_8 = vector.multi_reduction <add>, %mul3A_6, %reduce_sum3A_7 [0] : vector<64x2048xf32> to vector<2048xf32>
    %broadcast_in_dim3A_9 = vector.shape_cast %reduce_sum3A_8 : vector<2048xf32> to vector<1x2048xf32>
    %mul3A_10 = arith.constant -2.000000e+00 : f32
    %mul3A_11 = vector.broadcast %mul3A_10 : f32 to vector<64x1024xf32>
    %mul3A_12 = arith.mulf %get3A_4, %mul3A_11 : vector<64x1024xf32>
    %dot_general3A = arith.constant dense<0.000000e+00> : vector<1024x2048xf32>
    %dot_general3A_13 = tpu.matmul %mul3A_12, %get3A_1, %dot_general3A {dimension_numbers = #tpu.dot_dimension_numbers<[0], [0], [1], [1], [0, 1, 1, 1], [], []>, transpose_lhs_hint = false} : vector<64x1024xf32>, vector<64x2048xf32>, vector<1024x2048xf32> -> vector<1024x2048xf32>
    %add3A = vector.broadcast %broadcast_in_dim3A_9 : vector<1x2048xf32> to vector<1024x2048xf32>
    %add3A_14 = arith.addf %add3A, %dot_general3A_13 : vector<1024x2048xf32>
    %add3A_15 = vector.broadcast %transpose3A : vector<1024x1xf32> to vector<1024x2048xf32>
    %add3A_16 = arith.addf %add3A_14, %add3A_15 : vector<1024x2048xf32>
    %reduce_min3A = arith.constant dense<0x7F800000> : vector<2048xf32>
    %reduce_min3A_17 = vector.multi_reduction <minimumf>, %add3A_16, %reduce_min3A [0] : vector<1024x2048xf32> to vector<2048xf32>
    %broadcast_in_dim3A_18 = vector.shape_cast %reduce_min3A_17 : vector<2048xf32> to vector<1x2048xf32>
    %iota3A = tpu.iota {dimensions = array<i32: 0>} : vector<1024x2048xi32>
    %convert_element_type3A = arith.sitofp %iota3A : vector<1024x2048xi32> to vector<1024x2048xf32>
    %eq3A = vector.broadcast %broadcast_in_dim3A_18 : vector<1x2048xf32> to vector<1024x2048xf32>
    %eq3A_19 = arith.cmpf oeq, %add3A_16, %eq3A : vector<1024x2048xf32>
    %jit3A = arith.constant 1.024000e+03 : f32
    %broadcast_in_dim3A_20 = vector.broadcast %jit3A : f32 to vector<1024x2048xf32>
    %select_n3A = arith.select %eq3A_19, %convert_element_type3A, %broadcast_in_dim3A_20 : vector<1024x2048xi1>, vector<1024x2048xf32>
    %reduce_min3A_21 = arith.constant dense<0x7F800000> : vector<2048xf32>
    %reduce_min3A_22 = vector.multi_reduction <minimumf>, %select_n3A, %reduce_min3A_21 [0] : vector<1024x2048xf32> to vector<2048xf32>
    %convert_element_type3A_23 = arith.fptosi %reduce_min3A_22 : vector<2048xf32> to vector<2048xi32>
    %swap3A = arith.constant 0 : index
    %swap3A_24 = vector.load %arg3[%swap3A] : memref<2048xi32, #tpu.memory_space<vmem>>, vector<2048xi32>
    tpu.vector_store %arg3[%swap3A], %convert_element_type3A_23 {strides = array<i32>} : memref<2048xi32, #tpu.memory_space<vmem>>, vector<2048xi32>,
    return
  }
  func.func @transform_0(%arg0: i32) -> (i32, i32) {
    %c0_i32 = arith.constant 0 : i32
    %c0_i32_0 = arith.constant 0 : i32
    return %c0_i32, %arg0 : i32, i32
  }
  func.func @transform_1(%arg0: i32) -> (i32, i32) {
    %c0_i32 = arith.constant 0 : i32
    %c0_i32_0 = arith.constant 0 : i32
    %c0_i32_1 = arith.constant 0 : i32
    return %c0_i32, %c0_i32_0 : i32, i32
  }
  func.func @transform_2(%arg0: i32) -> i32 {
    %c0_i32 = arith.constant 0 : i32
    return %arg0 : i32
  }
}

</mosaic_0001>

<sc_bundles>
// kernel: kernel.4.cloned.1.call-start
scs
__scs_entry_jumppad:
0x0: {  	(pc) =	sbr.rel $0x88, $3  }
0x1: {  	(tag) =	ssettag $0x0;
	lr =	simm.s32 $0x1  }
0x2: {  	[smem:$0x3F9F] =	sst lr;
	_ =	strace $0xD0000000  }
0x3: {  	_ = 	snop  }
0x4: {  	_ = 	snop  }
0x5: {  	_ = 	snop  }
0x6: {  	_ = 	snop  }
0x7: {  	_ = 	snop  }
__scs_overlays_trampoline_lowered:
0x8: {  	[smem:$0x3FAE] =	sst s0  }
0x9: {  	[smem:$0x3FAF] =	sst s1  }
0xa: {  	[smem:$0x3FB0] =	sst s2  }
0xb: {  	[smem:$0x3FB1] =	sst s3  }
0xc: {  	[smem:$0x3FB2] =	sst s4  }
0xd: {  	[smem:$0x3FB3] =	sst s5  }
0xe: {  	[smem:$0x3FB4] =	sst s6  }
0xf: {  	[smem:$0x3FB5] =	sst s7  }
0x10: {  	[smem:$0x3FB6] =	sst s8  }
0x11: {  	[smem:$0x3FB7] =	sst s9;
	s0 =	simm.s32 @!p0 $0x0  }
0x12: {  	s1 =	sld [smem:$0x3F9D];
	s0 =	simm.s32 @p0 $0x1  }
0x13: {  	[smem:$0x3FB8] =	sst s0;
	s0 =	simm.s32 @!p1 $0x0  }
0x14: {  	s2 =	sld [smem:$0x3F9C];
	s0 =	simm.s32 @p1 $0x1  }
0x15: {  	[smem:$0x3FB9] =	sst s0;
	s0 =	simm.s32 @!p2 $0x0  }
0x16: {  	s3 =	sld [smem:$0x3FDB];
	s0 =	simm.s32 @p2 $0x1  }
0x17: {  	s4 =	simm.s32 $0x1BF5;
	[smem:$0x3FBB] =	sst s0  }
0x18: {  	s0 =	sld [smem:$0x3F9E];
	_ =	swait.ge [sflag:s4], $0x0  }
0x19: {  	s7 =	sld [smem:$0x3F9F]  }
0x1a: {  	s8 =	sadd.s32 $0xFFFFE003, lr  }
0x1b: {  	s9 =	sadd.s32 $0xFFFFFEF7, lr;
	s5 =	simm.s32 $0xFFFFFFFF;
	p2 =	slt.u32 s8, $0xFFFFF086  }
0x1c: {  	p1 =	slt.u32 s9, $0xF7A;
	s5 =	simm.s32 @!p2 $0x0  }
0x1d: {  	s5 =	simm.s32 @p1 $0x1;
	p0 =	seq.s32 s7, s2  }
0x1e: {  	s7 =	smul.u32 @!p0 $0xF7A, s2;
	p2 =	seq.s32 @!p0 s5, $0x0  }
0x1f: {  	s9 =	smul.u32 $0xF7A, s1;
	s8 =	simm.s32 @!p0 $0x1BF5;
	p2 =	por !p2, p0  }
0x20: {  	[sflag:s8] =	ssyncset.s32 @!p0 $0xFFFFF086;
	s6 =	sadd.s32 @!p0 s3, s7;
	s7 =	simm.s32 @!p0 $0x108  }
0x21: {  	s3 =	sadd.s32 s3, s9;
	s6 =	sadd.s32 @!p0 $0x88, s6;
	s7 =	simm.s32 @p2 $0x1082  }
0x22: {  	[simem:s7], [sflag:s8] =	dma.local @!p0 [hbm:s6], $0xF7A  }
0x23: {  	s9 =	sor.u32 $0xD0000000, s2;
	s6 =	simm.s32 $0x108;
	_ =	swait.ge @!p0 [sflag:s8], $0x0  }
0x24: {  	s3 =	sadd.s32 $0x88, s3;
	s6 =	simm.s32 @!p1 $0x1082;
	[sflag:s4] =	ssyncset.s32 $0xFFFFF086  }
0x25: {  	[simem:s6], [sflag:s4] =	dma.local [hbm:s3], $0xF7A  }
0x26: {  	[smem:$0x3F9F] =	sst s1;
	(tag) =	ssettag s2;
	_ =	strace s9  }
0x27: {  	s1 =	sld [smem:$0x3FAF]  }
0x28: {  	s2 =	sld [smem:$0x3FB0]  }
0x29: {  	s4 =	sld [smem:$0x3FB2]  }
0x2a: {  	p0 =	seq.s32 s5, $0x0;
	s5 =	sld [smem:$0x3FB3]  }
0x2b: {  	s6 =	sld [smem:$0x3FB4]  }
0x2c: {  	s7 =	sld [smem:$0x3FB5]  }
0x2d: {  	s3 =	simm.s32 $0x108;
	s8 =	sld [smem:$0x3FB6]  }
0x2e: {  	s3 =	simm.s32 @!p0 $0x1082;
	s9 =	sld [smem:$0x3FB7]  }
0x2f: {  	lr =	sadd.s32 s0, s3;
	s0 =	sld [smem:$0x3FAE]  }
0x30: {  	s3 =	sld [smem:$0x3FB1]  }
0x31: {  	[smem:$0x3FBA] =	sst s10  }
0x32: {  	s10 =	sld [smem:$0x3FB8];
	_ =	sdelay $0x3  }
0x33: {  	p0 =	seq.s32 s10, $0x1;
	s10 =	sld [smem:$0x3FBA];
	_ =	sdelay $0x3  }
0x34: {  	[smem:$0x3FBA] =	sst s10  }
0x35: {  	s10 =	sld [smem:$0x3FB9];
	_ =	sdelay $0x3  }
0x36: {  	p1 =	seq.s32 s10, $0x1;
	s10 =	sld [smem:$0x3FBA];
	_ =	sdelay $0x3  }
0x37: {  	[smem:$0x3FBA] =	sst s10  }
0x38: {  	s10 =	sld [smem:$0x3FBB]  }
0x39: {  	_ = 	snop;
	(pc) =	sbr.ind lr, $3  }
0x3a: {  	_ = 	snop  }
0x3b: {  	_ = 	snop  }
0x3c: {  	p2 =	seq.s32 s10, $0x1;
	s10 =	sld [smem:$0x3FBA]  }
0x3d: {  	_ =	shalt  }
0x3e: {  	_ =	shalt  }
0x3f: {  	_ =	shalt  }
0x40: {  	_ =	shalt  }
0x41: {  	_ =	shalt  }
0x42: {  	_ =	shalt  }
0x43: {  	_ =	shalt  }
0x44: {  	_ =	shalt  }
0x45: {  	_ =	shalt  }
0x46: {  	_ =	shalt  }
0x47: {  	_ =	shalt  }
0x48: {  	_ =	shalt  }
0x49: {  	_ =	shalt  }
0x4a: {  	_ =	shalt  }
0x4b: {  	_ =	shalt  }
0x4c: {  	_ =	shalt  }
0x4d: {  	_ =	shalt  }
0x4e: {  	_ =	shalt  }
0x4f: {  	_ =	shalt  }
0x50: {  	_ =	shalt  }
0x51: {  	_ =	shalt  }
0x52: {  	_ =	shalt  }
0x53: {  	_ =	shalt  }
0x54: {  	_ =	shalt  }
0x55: {  	_ =	shalt  }
0x56: {  	_ =	shalt  }
0x57: {  	_ =	shalt  }
0x58: {  	_ =	shalt  }
0x59: {  	_ =	shalt  }
0x5a: {  	_ =	shalt  }
0x5b: {  	_ =	shalt  }
0x5c: {  	_ =	shalt  }
0x5d: {  	_ =	shalt  }
0x5e: {  	_ =	shalt  }
0x5f: {  	_ =	shalt  }
0x60: {  	_ =	shalt  }
0x61: {  	_ =	shalt  }
0x62: {  	_ =	shalt  }
0x63: {  	_ =	shalt  }
0x64: {  	_ =	shalt  }
0x65: {  	_ =	shalt  }
0x66: {  	_ =	shalt  }
0x67: {  	_ =	shalt  }
0x68: {  	_ =	shalt  }
0x69: {  	_ =	shalt  }
0x6a: {  	_ =	shalt  }
0x6b: {  	_ =	shalt  }
0x6c: {  	_ =	shalt  }
0x6d: {  	_ =	shalt  }
0x6e: {  	_ =	shalt  }
0x6f: {  	_ =	shalt  }
0x70: {  	_ =	shalt  }
0x71: {  	_ =	shalt  }
0x72: {  	_ =	shalt  }
0x73: {  	_ =	shalt  }
0x74: {  	_ =	shalt  }
0x75: {  	_ =	shalt  }
0x76: {  	_ =	shalt  }
0x77: {  	_ =	shalt  }
0x78: {  	_ =	shalt  }
0x79: {  	_ =	shalt  }
0x7a: {  	_ =	shalt  }
0x7b: {  	_ =	shalt  }
0x7c: {  	_ =	shalt  }
0x7d: {  	_ =	shalt  }
0x7e: {  	_ =	shalt  }
0x7f: {  	_ =	shalt  }
0x80: {  	_ =	shalt  }
0x81: {  	_ =	shalt  }
0x82: {  	_ =	shalt  }
0x83: {  	_ =	shalt  }
0x84: {  	_ =	shalt  }
0x85: {  	_ =	shalt  }
0x86: {  	_ =	shalt  }
0x87: {  	_ =	shalt  }
.Lfunc_end0:
.L_simem_size_0:
called_computation_lowered:
.L_overlay_start_0:
0x88: {  	s2 =	sld [smem:$0x3FD9]  }
0x89: {  	s3 =	sld [smem:$0x3FFE];
	_ =	sdelay $0x1  }
0x8a: {  	s1 =	srdreg.scid  }
0x8b: {  	s0 =	sand.u32 $0x1, s1  }
0x8c: {  	s14 =	sshll.u32 s0, $0xA;
	s2 =	sadd.s32 s3, s2  }
0x8d: {  	s2 =	sadd.s32 s2, s14  }
0x8e: {  	[smem:$0x3FC6] =	sst s2  }
0x8f: {  	_ = 	snop  }
0x90: {  	s2 =	sld [smem:$0x3FD0];
	_ =	sdelay $0x2  }
0x91: {  	s15 =	simm.s32 $0xA;
	s4 =	simm.s32 $0x10  }
0x92: {  	[smem:s4], [sflag:s15] =	dma.local [hbm:s2], $0x1  }
0x93: {  	_ =	swait.eq [sflag:s15], $0x1  }
0x94: {  	[sflag:s15] =	ssyncset.done $0x0  }
0x95: {  	s16 =	sld [smem:$0x10];
	[sflag:s15] =	ssyncadd.s32 $0xFFFFFFFF  }
0x96: {  	s17 =	sld [smem:$0x11];
	(tm) =	ssettm $0x1  }
0x97: {  	s18 =	sld [smem:$0x3FFB];
	_ =	sdelay $0x3  }
0x98: {  	_ =	strace s18  }
0x99: {  	s4 =	sld [smem:$0x3FFC];
	_ =	sdelay $0x3  }
0x9a: {  	_ =	strace s4  }
0x9b: {  	s4 =	sld [smem:$0x3FFD];
	_ =	sdelay $0x3  }
0x9c: {  	_ =	strace s4  }
0x9d: {  	_ =	strace $0x8FFFFFFF  }
0x9e: {  	s19 =	sld [smem:$0x3FDB];
	_ =	sdelay $0x1  }
0x9f: {  	s5 =	simm.s32 $_scs_section_size  }
0xa0: {  	s6 =	simm.s32 $_size__tile_overlayer_lowered;
	s7 =	simm.s32 $_tile_overlayer_lowered  }
0xa1: {  	s22 =	simm.s32 $0x1BFF;
	s21 =	sshll.u32 s7, $0x1;
	s4 =	sadd.s32 s5, s19  }
0xa2: {  	s8 =	simm.s32 $0x0;
	s20 =	sshll.u32 s6, $0x1;
	s6 =	sadd.s32 s21, s4  }
0xa3: {  	[timem:s8], [sflag:s22] =	dma.local [hbm:s6], s20  }
0xa4: {  	_ =	swait.ge [sflag:s22], s20  }
0xa5: {  	s5 =	ssub.s32 $0x0, s20;
	[sflag:s22] =	ssyncset.done $0x0  }
0xa6: {  	[sflag:s22] =	ssyncadd.s32 s5;
	_ =	sdelay $0x1  }
0xa7: {  	s23 =	simm.s32 $0x1B8B  }
0xa8: {  	_ =	swait.ge [sflag:s23], $0x1  }
0xa9: {  	[sflag:s23] =	ssyncset.done $0x0  }
0xaa: {  	s25 =	simm.s32 $0x1B8E;
	s24 =	sld [smem:$0x3FFE];
	[sflag:s23] =	ssyncadd.s32 $0xFFFFFFFF  }
0xab: {  	s26 =	simm.s32 $execute0_lowered;
	[smem:$0x3FD2] =	sst s25  }
0xac: {  	s6 =	sshll.u32 s26, $0x1;
	_ =	strace $0x80000046;
	[dreg:$0x1] =	wrdreg $0xFFFFFFFF  }
0xad: {  	s28 =	simm.s32 $_size_execute0_lowered;
	s4 =	sadd.s32 s4, s6;
	[dreg:$0x0] =	wrdreg $0x0  }
0xae: {  	s6 =	sshll.u32 s28, $0x1;
	[dreg:$0x2] =	wrdreg s4  }
0xaf: {  	[dreg:$0x3] =	wrdreg s6  }
0xb0: {  	[dreg:$0x4] =	wrdreg $0xC0  }
0xb1: {  	_ =	task [dreg:s8], $0x5FFFF  }
0xb2: {  	[dreg:$0x1] =	wrdreg $0xFFFFFFFF  }
0xb3: {  	[dreg:$0x0] =	wrdreg $0x60  }
0xb4: {  	[dreg:$0x2] =	wrdreg s17  }
0xb5: {  	[dreg:$0x3] =	wrdreg s16  }
0xb6: {  	[dreg:$0x4] =	wrdreg s24  }
0xb7: {  	[dreg:$0x5] =	wrdreg $0x9  }
0xb8: {  	_ =	task.clear_ibuf [dreg:s8], $0x6FFFF;
	_ =	strace $0x90000046  }
0xb9: {  	s29 =	simm.s32 $0x9;
	_ =	strace $0x80000048  }
0xba: {  	_ =	swait.ge [sflag:s29], $0x1  }
0xbb: {  	[sflag:s29] =	ssyncadd.s32 $0xFFFFFFFF  }
0xbc: {  	_ =	strace $0x90000048  }
0xbd: {  	_ =	sfence  }
0xbe: {  	s30 =	sld [smem:$0x0];
	_ =	sdelay $0x2  }
0xbf: {  	s31 =	sshll.u32 s1, $0xD;
	s1 =	sshrl.u32 s1, $0x2  }
0xc0: {  	s3 =	sand.u32 $0x4000, s31;
	s1 =	sadd.s32 s1, s30  }
0xc1: {  	s0 =	sor.u32 s3, s0;
	s1 =	sshll.u32 s1, $0x11  }
0xc2: {  	s0 =	sor.u32 s1, s0  }
0xc3: {  	s0 =	sadd.s32 $0x8F2B, s0  }
0xc4: {  	[sflag:s0] =	ssyncadd.remote.s32 $0x1  }
0xc5: {  	_ =	sfence.sel $0xFFFF  }
0xc6: {  	[dreg:$0x0] =	wrdreg $0xFFFFFFFF;
	(pc) =	sbr.abs _section_cstart, $3  }
0xc7: {  	[dreg:$0x1] =	wrdreg $0xFFFFFFFF  }
0xc8: {  	_ =	task.clear_ibuf [dreg:s8], $0x2FFFF;
	_ =	strace $0x9FFFFFFF  }
0xc9: {  	(tm) =	ssettm $0x7FFFFFFF  }
tec
execute0_lowered:
.L_overlay_start_1:
0x0: {  	(tag) =	ssettag $0x1  }
0x1: {  	s4 =	rddreg [dreg:$0x0]  }
0x2: {  	s1 =	rddreg [dreg:$0x1]  }
0x3: {  	s5 =	rddreg [dreg:$0x2]  }
0x4: {  	s0 =	rddreg [dreg:$0x3]  }
0x5: {  	s3 =	simm.s32 $0x0;
	s6 =	srdreg.scid;
	s2 =	stileid.u32  }
0x6: {  	s10 =	simm.s32 $0x0;
	s6 =	sand.u32 $0x1, s6;
	s7 =	sshll.u32 s2, $0x1  }
0x7: {  	[smem:$0x7FF] =	sst s3;
	s7 =	sor.u32 s6, s7;
	s6 =	ssub.s32 $0x2, s6  }
0x8: {  	_ =	strace $0x80000047;
	s8 =	sshll.u32 s7, $0xB;
	s9 =	sshrl.u32 s6, $0x1  }
0x9: {  	s7 =	sshll.u32 s7, $0x8;
	s5 =	sadd.s32 s8, s5;
	s6 =	ssub.s32 s6, s9  }
0xa: {  	s4 =	sadd.s32 s4, s7;
	s7 =	simm.s32 $0x2000;
	s8 =	simm.s32 $0x1  }
0xb: {  	s9 =	simm.s32 $0x2800;
	s5 =	sadd.s32 $0x800, s5;
	s6 =	smax.u32 s6, $0x1  }
.LBB2_1:
0xc: {  	[tilespmem:s7], [sflag:$0x1] =	stream.linear.gather [hbm4b:s4+s3], $0x800, $0x38;
	[tilespmem:$0x6800] =	vst v63  }
0xd: {  	_ =	swait.ge [sflag:s8], $0x800  }
0xe: {  	[sflag:s8] =	ssyncset.done $0x0  }
0xf: {  	[sflag:s8] =	ssyncadd.s32 $0xFFFFF800  }
0x10: {  	[tilespmem:s3], [sflag:$0x1] =	stream.linear.gather [hbm4b:s1+s3], $0x2000, $0x38;
	[tilespmem:$0x6800] =	vst v63  }
0x11: {  	_ =	swait.ge [sflag:s8], $0x2000  }
0x12: {  	[sflag:s8] =	ssyncset.done $0x0  }
0x13: {  	s11 =	simm.s32 $0x80;
	[sflag:s8] =	ssyncadd.s32 $0xFFFFE000  }
0x14: {  	v0 =	vld [tilespmem:s11+$0x70]  }
0x15: {  	v1 =	vld [tilespmem:s11+$0xFFFFFF90]  }
0x16: {  	v2 =	vld [tilespmem:s11+$0xFFFFFFA0]  }
0x17: {  	v3 =	vld [tilespmem:s11+$0xFFFFFFB0]  }
0x18: {  	v4 =	vld [tilespmem:s11+$0xFFFFFFC0]  }
0x19: {  	v5 =	vld [tilespmem:s11+$0xFFFFFFD0]  }
0x1a: {  	v7 =	vld [tilespmem:s11+$0xFFFFFFE0]  }
0x1b: {  	v8 =	vld [tilespmem:s11+$0xFFFFFFF0]  }
0x1c: {  	v9 =	vld [tilespmem:s11+$0x0]  }
0x1d: {  	v10 =	vld [tilespmem:s11+$0x10]  }
0x1e: {  	v11 =	vld [tilespmem:s11+$0x20]  }
0x1f: {  	v12 =	vld [tilespmem:s11+$0x30]  }
0x20: {  	v14 =	vld [tilespmem:s11+$0x40]  }
0x21: {  	v16 =	vld [tilespmem:s11+$0x50]  }
0x22: {  	v18 =	vld [tilespmem:s11+$0x60]  }
0x23: {  	v21 =	vld [tilespmem:s11+$0xFFFFFF80]  }
0x24: {  	v6 =	vadd.s32 $0x400, v0;
	v0 =	vld.idx.msk [tilespmem:v0+s7+$0x0], $0xffff  }
0x25: {  	v13 =	vadd.s32 $0x400, v1;
	v1 =	vld.idx.msk [tilespmem:v1+s7+$0x0], $0xffff  }
0x26: {  	v15 =	vadd.s32 $0x400, v2;
	v2 =	vld.idx.msk [tilespmem:v2+s7+$0x0], $0xffff  }
0x27: {  	v17 =	vadd.s32 $0x400, v3;
	v3 =	vld.idx.msk [tilespmem:v3+s7+$0x0], $0xffff  }
0x28: {  	v19 =	vadd.s32 $0x400, v4;
	v4 =	vld.idx.msk [tilespmem:v4+s7+$0x0], $0xffff  }
0x29: {  	v20 =	vadd.s32 $0x400, v5;
	v5 =	vld.idx.msk [tilespmem:v5+s7+$0x0], $0xffff  }
0x2a: {  	v6 =	vld.idx.msk [tilespmem:v6+s7+$0x0], $0xffff  }
0x2b: {  	v26 =	vadd.s32 $0x400, v21;
	v13 =	vld.idx.msk [tilespmem:v13+s7+$0x0], $0xffff  }
0x2c: {  	v22 =	vadd.s32 $0x400, v7;
	v15 =	vld.idx.msk [tilespmem:v15+s7+$0x0], $0xffff  }
0x2d: {  	v23 =	vadd.s32 $0x400, v8;
	v17 =	vld.idx.msk [tilespmem:v17+s7+$0x0], $0xffff  }
0x2e: {  	v24 =	vadd.s32 $0x400, v9;
	v19 =	vld.idx.msk [tilespmem:v19+s7+$0x0], $0xffff  }
0x2f: {  	v25 =	vadd.s32 $0x400, v10;
	v20 =	vld.idx.msk [tilespmem:v20+s7+$0x0], $0xffff  }
0x30: {  	v26 =	vld.idx.msk [tilespmem:v26+s7+$0x0], $0xffff  }
0x31: {  	v27 =	vadd.s32 $0x400, v11;
	v22 =	vld.idx.msk [tilespmem:v22+s7+$0x0], $0xffff  }
0x32: {  	s11 =	simm.s32 $0x4800;
	v28 =	vadd.s32 $0x400, v12;
	v23 =	vld.idx.msk [tilespmem:v23+s7+$0x0], $0xffff  }
0x33: {  	v29 =	vadd.s32 $0x400, v14;
	v24 =	vld.idx.msk [tilespmem:v24+s7+$0x0], $0xffff;
	[tilespmem:s11+$0xFFFFE0F0] =	vst v0  }
0x34: {  	v30 =	vadd.s32 $0x400, v16;
	v25 =	vld.idx.msk [tilespmem:v25+s7+$0x0], $0xffff;
	[tilespmem:s11+$0xF0] =	vst v6  }
0x35: {  	v31 =	vadd.s32 $0x400, v18;
	v0 =	vld.idx.msk [tilespmem:v21+s7+$0x0], $0xffff;
	[tilespmem:s11+$0x0] =	vst v26  }
0x36: {  	v27 =	vld.idx.msk [tilespmem:v27+s7+$0x0], $0xffff;
	[tilespmem:s11+$0x10] =	vst v13  }
0x37: {  	v28 =	vld.idx.msk [tilespmem:v28+s7+$0x0], $0xffff;
	[tilespmem:s11+$0x20] =	vst v15  }
0x38: {  	v29 =	vld.idx.msk [tilespmem:v29+s7+$0x0], $0xffff;
	[tilespmem:s11+$0x30] =	vst v17  }
0x39: {  	v30 =	vld.idx.msk [tilespmem:v30+s7+$0x0], $0xffff;
	[tilespmem:s11+$0x40] =	vst v19  }
0x3a: {  	v31 =	vld.idx.msk [tilespmem:v31+s7+$0x0], $0xffff;
	[tilespmem:s11+$0x50] =	vst v20  }
0x3b: {  	v6 =	vld.idx.msk [tilespmem:v7+s7+$0x0], $0xffff;
	[tilespmem:s11+$0x60] =	vst v22  }
0x3c: {  	v7 =	vld.idx.msk [tilespmem:v8+s7+$0x0], $0xffff;
	[tilespmem:s11+$0x70] =	vst v23  }
0x3d: {  	v8 =	vld.idx.msk [tilespmem:v9+s7+$0x0], $0xffff;
	[tilespmem:s11+$0x80] =	vst v24  }
0x3e: {  	v9 =	vld.idx.msk [tilespmem:v10+s7+$0x0], $0xffff;
	[tilespmem:s11+$0x90] =	vst v25  }
0x3f: {  	v10 =	vld.idx.msk [tilespmem:v11+s7+$0x0], $0xffff;
	[tilespmem:s11+$0xA0] =	vst v27  }
0x40: {  	v11 =	vld.idx.msk [tilespmem:v12+s7+$0x0], $0xffff;
	[tilespmem:s11+$0xB0] =	vst v28  }
0x41: {  	v12 =	vld.idx.msk [tilespmem:v14+s7+$0x0], $0xffff;
	[tilespmem:s11+$0xC0] =	vst v29  }
0x42: {  	v13 =	vld.idx.msk [tilespmem:v16+s7+$0x0], $0xffff;
	[tilespmem:s11+$0xD0] =	vst v30  }
0x43: {  	s12 =	simm.s32 $0x0;
	s13 =	simm.s32 $0x180;
	v14 =	vld.idx.msk [tilespmem:v18+s7+$0x0], $0xffff;
	[tilespmem:s11+$0xE0] =	vst v31  }
.LBB2_2:
0x44: {  	v15 =	vld [tilespmem:s13+$0x70];
	s12 =	sadd.s32 $0x10, s12;
	[tilespmem:s11+$0xFFFFE000] =	vst v0  }
0x45: {  	v16 =	vld [tilespmem:s13+$0xFFFFFF90];
	p0 =	slt.u32 s12, $0x1F0;
	[tilespmem:s11+$0xFFFFE010] =	vst v1  }
0x46: {  	v17 =	vld [tilespmem:s13+$0xFFFFFFA0];
	[tilespmem:s11+$0xFFFFE020] =	vst v2  }
0x47: {  	v18 =	vld [tilespmem:s13+$0xFFFFFFB0];
	[tilespmem:s11+$0xFFFFE030] =	vst v3  }
0x48: {  	v19 =	vld [tilespmem:s13+$0xFFFFFFC0];
	[tilespmem:s11+$0xFFFFE040] =	vst v4  }
0x49: {  	v20 =	vld [tilespmem:s13+$0xFFFFFFD0];
	v0 =	vadd.s32 $0x400, v15;
	[tilespmem:s11+$0xFFFFE050] =	vst v5  }
0x4a: {  	v1 =	vadd.s32 $0x400, v16;
	v21 =	vld [tilespmem:s13+$0xFFFFFFE0];
	[tilespmem:s11+$0xFFFFE060] =	vst v6  }
0x4b: {  	v2 =	vadd.s32 $0x400, v17;
	v22 =	vld [tilespmem:s13+$0xFFFFFFF0];
	[tilespmem:s11+$0xFFFFE070] =	vst v7  }
0x4c: {  	v3 =	vadd.s32 $0x400, v18;
	v23 =	vld [tilespmem:s13+$0x0];
	[tilespmem:s11+$0xFFFFE080] =	vst v8  }
0x4d: {  	v4 =	vadd.s32 $0x400, v19;
	v24 =	vld [tilespmem:s13+$0x10];
	[tilespmem:s11+$0xFFFFE090] =	vst v9  }
0x4e: {  	v5 =	vadd.s32 $0x400, v20;
	v0 =	vld.idx.msk [tilespmem:v0+s7+$0x0], $0xffff;
	[tilespmem:s11+$0xFFFFE0A0] =	vst v10  }
0x4f: {  	v6 =	vadd.s32 $0x400, v21;
	v10 =	vld [tilespmem:s13+$0x20];
	[tilespmem:s11+$0xFFFFE0B0] =	vst v11  }
0x50: {  	v7 =	vadd.s32 $0x400, v22;
	v11 =	vld [tilespmem:s13+$0x30];
	[tilespmem:s11+$0xFFFFE0C0] =	vst v12  }
0x51: {  	v8 =	vadd.s32 $0x400, v23;
	v12 =	vld [tilespmem:s13+$0x40];
	[tilespmem:s11+$0xFFFFE0D0] =	vst v13  }
0x52: {  	v9 =	vadd.s32 $0x400, v24;
	v13 =	vld [tilespmem:s13+$0x50];
	[tilespmem:s11+$0xFFFFE0E0] =	vst v14  }
0x53: {  	s11 =	sadd.s32 $0x100, s11;
	v14 =	vld [tilespmem:s13+$0x60]  }
0x54: {  	v25 =	vadd.s32 $0x400, v10;
	v15 =	vld.idx.msk [tilespmem:v15+s7+$0x0], $0xffff;
	[tilespmem:s11+$0xF0] =	vst v0  }
0x55: {  	v0 =	vld [tilespmem:s13+$0xFFFFFF80];
	v26 =	vadd.s32 $0x400, v11  }
0x56: {  	v27 =	vld.idx.msk [tilespmem:v1+s7+$0x0], $0xffff;
	v1 =	vadd.s32 $0x400, v12  }
0x57: {  	v28 =	vld.idx.msk [tilespmem:v2+s7+$0x0], $0xffff;
	v2 =	vadd.s32 $0x400, v13  }
0x58: {  	v29 =	vld.idx.msk [tilespmem:v3+s7+$0x0], $0xffff;
	v3 =	vadd.s32 $0x400, v14  }
0x59: {  	v30 =	vld.idx.msk [tilespmem:v4+s7+$0x0], $0xffff  }
0x5a: {  	v4 =	vadd.s32 $0x400, v0;
	v31 =	vld.idx.msk [tilespmem:v5+s7+$0x0], $0xffff;
	[tilespmem:s11+$0xFFFFE0F0] =	vst v15  }
0x5b: {  	v15 =	vld.idx.msk [tilespmem:v6+s7+$0x0], $0xffff  }
0x5c: {  	v32 =	vld.idx.msk [tilespmem:v7+s7+$0x0], $0xffff  }
0x5d: {  	v33 =	vld.idx.msk [tilespmem:v8+s7+$0x0], $0xffff  }
0x5e: {  	v34 =	vld.idx.msk [tilespmem:v9+s7+$0x0], $0xffff  }
0x5f: {  	v4 =	vld.idx.msk [tilespmem:v4+s7+$0x0], $0xffff  }
0x60: {  	v25 =	vld.idx.msk [tilespmem:v25+s7+$0x0], $0xffff  }
0x61: {  	v26 =	vld.idx.msk [tilespmem:v26+s7+$0x0], $0xffff  }
0x62: {  	v35 =	vld.idx.msk [tilespmem:v1+s7+$0x0], $0xffff  }
0x63: {  	v36 =	vld.idx.msk [tilespmem:v2+s7+$0x0], $0xffff  }
0x64: {  	v37 =	vld.idx.msk [tilespmem:v3+s7+$0x0], $0xffff  }
0x65: {  	v0 =	vld.idx.msk [tilespmem:v0+s7+$0x0], $0xffff;
	[tilespmem:s11+$0x0] =	vst v4  }
0x66: {  	v1 =	vld.idx.msk [tilespmem:v16+s7+$0x0], $0xffff;
	[tilespmem:s11+$0x10] =	vst v27  }
0x67: {  	v2 =	vld.idx.msk [tilespmem:v17+s7+$0x0], $0xffff;
	[tilespmem:s11+$0x20] =	vst v28  }
0x68: {  	v3 =	vld.idx.msk [tilespmem:v18+s7+$0x0], $0xffff;
	[tilespmem:s11+$0x30] =	vst v29  }
0x69: {  	v4 =	vld.idx.msk [tilespmem:v19+s7+$0x0], $0xffff;
	[tilespmem:s11+$0x40] =	vst v30  }
0x6a: {  	v5 =	vld.idx.msk [tilespmem:v20+s7+$0x0], $0xffff;
	[tilespmem:s11+$0x50] =	vst v31  }
0x6b: {  	v6 =	vld.idx.msk [tilespmem:v21+s7+$0x0], $0xffff;
	[tilespmem:s11+$0x60] =	vst v15  }
0x6c: {  	v7 =	vld.idx.msk [tilespmem:v22+s7+$0x0], $0xffff;
	[tilespmem:s11+$0x70] =	vst v32  }
0x6d: {  	v8 =	vld.idx.msk [tilespmem:v23+s7+$0x0], $0xffff;
	[tilespmem:s11+$0x80] =	vst v33  }
0x6e: {  	v9 =	vld.idx.msk [tilespmem:v24+s7+$0x0], $0xffff;
	[tilespmem:s11+$0x90] =	vst v34  }
.Ltmp0:
0x6f: {  	v10 =	vld.idx.msk [tilespmem:v10+s7+$0x0], $0xffff;
	[tilespmem:s11+$0xA0] =	vst v25;
	(pc) =	sbr.rel @p0 .LBB2_2-.Ltmp0, $4  }
0x70: {  	v11 =	vld.idx.msk [tilespmem:v11+s7+$0x0], $0xffff;
	[tilespmem:s11+$0xB0] =	vst v26  }
0x71: {  	v12 =	vld.idx.msk [tilespmem:v12+s7+$0x0], $0xffff;
	[tilespmem:s11+$0xC0] =	vst v35  }
0x72: {  	v13 =	vld.idx.msk [tilespmem:v13+s7+$0x0], $0xffff;
	[tilespmem:s11+$0xD0] =	vst v36  }
0x73: {  	s13 =	sadd.s32 $0x100, s13;
	v14 =	vld.idx.msk [tilespmem:v14+s7+$0x0], $0xffff;
	[tilespmem:s11+$0xE0] =	vst v37  }
0x74: {  	[tilespmem:s11+$0xFFFFE000] =	vst v0  }
0x75: {  	[tilespmem:s11+$0xFFFFE010] =	vst v1  }
0x76: {  	[tilespmem:s11+$0xFFFFE020] =	vst v2  }
0x77: {  	[tilespmem:s11+$0xFFFFE030] =	vst v3  }
0x78: {  	[tilespmem:s11+$0xFFFFE040] =	vst v4  }
0x79: {  	[tilespmem:s11+$0xFFFFE050] =	vst v5  }
0x7a: {  	[tilespmem:s11+$0xFFFFE060] =	vst v6  }
0x7b: {  	[tilespmem:s11+$0xFFFFE070] =	vst v7  }
0x7c: {  	[tilespmem:s11+$0xFFFFE080] =	vst v8  }
0x7d: {  	[tilespmem:s11+$0xFFFFE090] =	vst v9  }
0x7e: {  	[tilespmem:s11+$0xFFFFE0A0] =	vst v10  }
0x7f: {  	[tilespmem:s11+$0xFFFFE0B0] =	vst v11  }
0x80: {  	s10 =	sadd.s32 $0x1, s10;
	[tilespmem:s11+$0xFFFFE0C0] =	vst v12  }
0x81: {  	p0 =	sne.s32 s10, s6;
	[tilespmem:s11+$0xFFFFE0D0] =	vst v13  }
.Ltmp1:
0x82: {  	[tilespmem:s11+$0xFFFFE0E0] =	vst v14;
	(pc) =	sbr.rel @p0 .LBB2_1-.Ltmp1, $4  }
0x83: {  	[hbm4b:s5+s3] =	stream.linear.scatter [tilespmem:s9], [sflag:$0x1], $0x4000, $0x38;
	[tilespmem:$0x6800] =	vst v63  }
0x84: {  	_ =	swait.ge [sflag:s8], $0x4000  }
0x85: {  	[sflag:s8] =	ssyncset.done $0x0  }
0x86: {  	[sflag:s8] =	ssyncadd.s32 $0xFFFFC000  }
0x87: {  	_ =	sfence.sel $0x180000  }
0x88: {  	[bflag:$0x0] =	sbarrier.arrive $0xFFFF  }
0x89: {  	p0 =	sne.s32 s2, $0x0;
	_ =	strace $0x90000047  }
0x8a: {  	s0 =	sadd.s32 @!p0 $0x100000, s0;
	[bflag:$0x2] =	sbarrier.arrive $0xFFFF  }
0x8b: {  	[sflag:s0] =	ssyncadd.tile.s32 @!p0 $0x1;
	_ =	shalt  }
.Lfunc_end2:
_tile_overlayer_lowered:
.L_overlay_start_2:
0x8c: {  	(tag) =	ssettag $0x2  }
0x8d: {  	s0 =	rddreg [dreg:$0x0];
	s2 =	stileid.u32  }
0x8e: {  	s1 =	rddreg [dreg:$0x1];
	p0 =	sne.s32 s2, $0x0  }
0x8f: {  	s3 =	rddreg [dreg:$0x2];
	[bflag:$0x3] =	sbarrier.arrive $0xFFFF;
	s2 =	simm.s32 @!p0 $0x1C01  }
0x90: {  	[timem:s3], [sflag:s2] =	dma.local @!p0 [hbm:s0], s1  }
0x91: {  	s0 =	simm.s32 @!p0 $0x1  }
0x92: {  	_ =	swait.ge @!p0 [sflag:s0], s1  }
0x93: {  	s1 =	ssub.s32 @!p0 $0x0, s1;
	[sflag:s0] =	ssyncset.done @!p0 $0x0  }
0x94: {  	[sflag:s0] =	ssyncadd.s32 @!p0 s1  }
0x95: {  	[bflag:$0x3] =	sbarrier.arrive $0xFFFF  }
0x96: {  	_ =	shalt  }

</sc_bundles>
